<compile_context>
chip_gen: v7x
topology: tpu7x:2x2x1
jax: 0.10.2.dev20260603
libtpu: 0.0.44.dev20260713+nightly
codegen_flags: <defaults>
</compile_context>

<pallas_src>
import jax
import jax.numpy as jnp
from jax import lax
from jax.experimental import pallas as pl
from jax.experimental.pallas import tpu as pltpu
from jax.experimental.pallas import tpu_sc as plsc

N = 1024
NC, NS, L = 1, 16, 16
NW = NC * NS

N1 = 2048
P1 = (2 * N1) // NW
N0 = 1023
P0 = 2048 // NW
P0L = 2 * N0 - (NW - 1) * P0
V0C = 3 * P0 // 2
V0L = 3 * N0 - (NW - 1) * V0C
GCH = 128
MASK = N * N - 1

V0OFF = 4 * N1
O0OFF = 2 * N1


def _body(dist, vv, out, vm1, vm0, idx1, idx0, g1, g0, sem):
    wid = lax.axis_index("c") * NS + lax.axis_index("s")
    last = wid == NW - 1
    lanes = jnp.arange(L, dtype=jnp.int32)

    ci1 = pltpu.async_copy(
        vv.at[pl.ds(wid * 2 * P1, 2 * P1)], vm1, sem)

    @pl.when(jnp.logical_not(last))
    def _():
        pltpu.sync_copy(vv.at[pl.ds(V0OFF + wid * V0C, V0C)], vm0)

    @pl.when(last)
    def _():
        pltpu.sync_copy(vv.at[pl.ds(V0OFF + (NW - 1) * V0C, V0L)],
                        vm0.at[pl.ds(0, V0L)])

    ci1.wait()

    def ph1(g, _):
        p = lanes + g * L
        a = 2 * p
        va = plsc.load_gather(vm1, [a])
        vb = plsc.load_gather(vm1, [a + 1])
        idx1[pl.ds(g * L, L)] = va * N + vb
        return 0

    lax.fori_loop(0, P1 // L, ph1, 0, unroll=2)

    def ph0(g, _):
        p = lanes + g * L
        i3 = 3 * (p >> 1)
        par = p & 1
        va = plsc.load_gather(vm0, [i3 + par])
        vb = plsc.load_gather(vm0, [i3 + 2 * par])
        idx0[pl.ds(g * L, L)] = (va * N + vb) & MASK
        return 0

    lax.fori_loop(0, P0 // L, ph0, 0, unroll=2)

    cps = [
        pltpu.async_copy(dist.at[idx1.at[pl.ds(o, s)]],
                         g1.at[pl.ds(o, s)], sem)
        for o in range(0, P1, GCH)
        for s in (min(GCH, P1 - o),)
    ] + [
        pltpu.async_copy(dist.at[idx0.at[pl.ds(o, s)]],
                         g0.at[pl.ds(o, s)], sem)
        for o in range(0, P0, GCH)
        for s in (min(GCH, P0 - o),)
    ]
    for c in cps:
        c.wait()

    co1 = pltpu.async_copy(g1, out.at[pl.ds(wid * P1, P1)], sem)

    @pl.when(jnp.logical_not(last))
    def _():
        pltpu.sync_copy(g0, out.at[pl.ds(O0OFF + wid * P0, P0)])

    @pl.when(last)
    def _():
        pltpu.sync_copy(g0.at[pl.ds(0, P0L)],
                        out.at[pl.ds(O0OFF + (NW - 1) * P0, P0L)])

    co1.wait()


def kernel(input, verts0, verts1):
    f32 = jnp.float32
    i32 = jnp.int32
    dist = input.reshape(-1)
    vv = jnp.concatenate([
        verts1.reshape(-1).astype(i32),
        verts0.reshape(-1).astype(i32),
    ])

    mesh = plsc.VectorSubcoreMesh(
        core_axis_name="c", subcore_axis_name="s", num_cores=NC)
    out = pl.kernel(
        _body,
        out_type=jax.ShapeDtypeStruct((2 * N1 + 2 * N0,), f32),
        mesh=mesh,
        compiler_params=pltpu.CompilerParams(
            needs_layout_passes=False,
            skip_device_barrier=True,
            disable_bounds_checks=True,
            disable_semaphore_checks=True,
        ),
        scratch_types=[
            pltpu.VMEM((2 * P1,), jnp.int32),
            pltpu.VMEM((V0C,), jnp.int32),
            pltpu.VMEM((P1,), jnp.int32),
            pltpu.VMEM((P0,), jnp.int32),
            pltpu.VMEM((P1,), f32),
            pltpu.VMEM((P0,), f32),
            pltpu.SemaphoreType.DMA,
        ],
    )(dist, vv)

    dgm0 = out[O0OFF: O0OFF + 2 * N0].reshape(N0, 2)
    dgm1 = out[: 2 * N1].reshape(N1, 2)
    return (dgm0, dgm1)

# --- scband reference (transcript-rebuilt; emitter-appended) ---
"""Pipeline reference for scband-rips-persistence-distance-49254684950593 (READ-ONLY COPY).

The authoritative reference and input builder live on the scoring server;
editing this copy changes nothing except your own understanding.
"""

import jax, jax.numpy as jnp
import numpy as np


def setup_inputs(seed: int = 0) -> dict:
    key = jax.random.key(seed)
    k1, k2, k3 = jax.random.split(key, 3)
    N = 1024
    # symmetric nonnegative 'distance' matrix
    A = jax.random.uniform(k1, (N, N), dtype=jnp.float32)
    dist = (A + A.T) * 0.5
    dist = dist - jnp.diag(jnp.diag(dist))
    # synthetic persistence generator indices (stand-in for ripser_parallel output,
    # which is external non-differentiable code). Column layouts match ripser 'gens':
    # H0 rows: (birth_vertex, death_edge_v0, death_edge_v1)
    verts0 = jax.random.randint(k2, (N - 1, 3), 0, N, dtype=jnp.int64)
    # H1 rows: (birth_edge_v0, birth_edge_v1, death_edge_v0, death_edge_v1)
    verts1 = jax.random.randint(k3, (2048, 4), 0, N, dtype=jnp.int64)
    return {"input": dist, "verts0": verts0, "verts1": verts1}


def reference(input, verts0, verts1):
    # hom_dims = (0, 1)
    # H0 diagram: births are diagonal entries at birth vertex, deaths are edge lengths
    dgm0 = jnp.stack((input[verts0[:, 0], verts0[:, 0]],
                      input[verts0[:, 1], verts0[:, 2]]), axis=1)
    # H1 diagram: births and deaths are both edge lengths
    dgm1 = jnp.stack((input[verts1[:, 0], verts1[:, 1]],
                      input[verts1[:, 2], verts1[:, 3]]), axis=1)
    return (dgm0, dgm1)

if __name__ == "__main__":
    import jax
    _d = setup_inputs()
    print(jax.jit(kernel)(*tuple(_d.values())))

</pallas_src>

<mosaic_0001>
#map = affine_map<(d0, d1) -> (0)>
module attributes {stable_mosaic.version = 14 : i64} {
  func.func @_body(%arg0: i32, %arg1: i32, %arg2: memref<1048576xf32, #tpu.memory_space<hbm>>, %arg3: memref<11261xi32, #tpu.memory_space<hbm>>, %arg4: memref<6142xf32, #tpu.memory_space<hbm>>, %arg5: memref<512xi32, #tpu.memory_space<vmem>>, %arg6: memref<192xi32, #tpu.memory_space<vmem>>, %arg7: memref<256xi32, #tpu.memory_space<vmem>>, %arg8: memref<128xi32, #tpu.memory_space<vmem>>, %arg9: memref<256xf32, #tpu.memory_space<vmem>>, %arg10: memref<128xf32, #tpu.memory_space<vmem>>, %arg11: memref<!tpu.dma_semaphore, #tpu.memory_space<semaphore_mem>>) attributes {dimension_semantics = [#tpu.dimension_semantics<core_parallel>, #tpu.dimension_semantics<subcore_parallel>], iteration_bounds = array<i64: 1, 16>, scalar_prefetch = 0 : i64, scratch_operands = 7 : i64, tpu.core_type = #tpu.core_type<sc_vector_subcore>, window_params = [{transform_indices = #map}, {transform_indices = #map}, {transform_indices = #map}]} {
    %mul3A = arith.constant 16 : i32
    %mul3A_0 = arith.muli %arg0, %mul3A : i32
    %add3A = arith.addi %mul3A_0, %arg1 : i32
    %eq3A = arith.constant 15 : i32
    %eq3A_1 = arith.cmpi eq, %add3A, %eq3A : i32
    %iota3A = tpu.iota {dimensions = array<i32: 0>} : vector<16xi32>
    %mul3A_2 = arith.constant 2 : i32
    %mul3A_3 = arith.muli %add3A, %mul3A_2 : i32
    %mul3A_4 = arith.constant 256 : i32
    %mul3A_5 = arith.muli %mul3A_3, %mul3A_4 : i32
    %dma_start3A = tpu.memref_slice %arg3[%mul3A_5] : memref<11261xi32, #tpu.memory_space<hbm>> -> memref<512xi32, #tpu.memory_space<hbm>>
    %dma_start3A_6 = tpu.memref_slice %arg3[%mul3A_5] : memref<11261xi32, #tpu.memory_space<hbm>> -> memref<512xi32, #tpu.memory_space<hbm>>
    tpu.enqueue_dma source(%dma_start3A_6 : memref<512xi32, #tpu.memory_space<hbm>>) target(%arg5 : memref<512xi32, #tpu.memory_space<vmem>>) target_semaphore(%arg11 : memref<!tpu.dma_semaphore, #tpu.memory_space<semaphore_mem>>)
    %not3A = arith.constant true
    %not3A_7 = arith.xori %eq3A_1, %not3A : i1
    %convert_element_type3A = arith.extui %not3A_7 : i1 to i32
    %cond3A = arith.constant 0 : i32
    %cond3A_8 = arith.cmpi ne, %convert_element_type3A, %cond3A : i32
    scf.if %cond3A_8 {
      %mul3A_76 = arith.constant 192 : i32
      %mul3A_77 = arith.muli %add3A, %mul3A_76 : i32
      %add3A_78 = arith.constant 8192 : i32
      %add3A_79 = arith.addi %add3A_78, %mul3A_77 : i32
      "tpu.region"() ({
        %run_scoped3A = tpu.sem_alloc : memref<!tpu.dma_semaphore, #tpu.memory_space<semaphore_mem>>
        %dma_start3A_80 = tpu.memref_slice %arg3[%add3A_79] : memref<11261xi32, #tpu.memory_space<hbm>> -> memref<192xi32, #tpu.memory_space<hbm>>
        %dma_start3A_81 = tpu.memref_slice %arg3[%add3A_79] : memref<11261xi32, #tpu.memory_space<hbm>> -> memref<192xi32, #tpu.memory_space<hbm>>
        tpu.enqueue_dma source(%dma_start3A_81 : memref<192xi32, #tpu.memory_space<hbm>>) target(%arg6 : memref<192xi32, #tpu.memory_space<vmem>>) target_semaphore(%run_scoped3A : memref<!tpu.dma_semaphore, #tpu.memory_space<semaphore_mem>>)
        %dma_wait3A_82 = tpu.memref_slice %arg3[%add3A_79] : memref<11261xi32, #tpu.memory_space<hbm>> -> memref<192xi32, #tpu.memory_space<hbm>>
        %dma_wait3A_83 = tpu.memref_slice %arg3[%add3A_79] : memref<11261xi32, #tpu.memory_space<hbm>> -> memref<192xi32, #tpu.memory_space<hbm>>
        tpu.wait_dma2 semaphore(%run_scoped3A : memref<!tpu.dma_semaphore, #tpu.memory_space<semaphore_mem>>) src(%dma_wait3A_83 : memref<192xi32, #tpu.memory_space<hbm>>) dst(%arg6 : memref<192xi32, #tpu.memory_space<vmem>>)
        tpu.yield
      }) : () -> ()
    } else {
    }
    %convert_element_type3A_9 = arith.extui %eq3A_1 : i1 to i32
    %cond3A_10 = arith.constant 0 : i32
    %cond3A_11 = arith.cmpi ne, %convert_element_type3A_9, %cond3A_10 : i32
    scf.if %cond3A_11 {
      "tpu.region"() ({
        %run_scoped3A = tpu.sem_alloc : memref<!tpu.dma_semaphore, #tpu.memory_space<semaphore_mem>>
        %dma_start3A_76 = arith.constant 0 : i32
        %dma_start3A_77 = tpu.memref_slice %arg6[%dma_start3A_76] : memref<192xi32, #tpu.memory_space<vmem>> -> memref<189xi32, #tpu.memory_space<vmem>>
        %dma_start3A_78 = arith.constant 11072 : i32
        %dma_start3A_79 = tpu.memref_slice %arg3[%dma_start3A_78] : memref<11261xi32, #tpu.memory_space<hbm>> -> memref<189xi32, #tpu.memory_space<hbm>>
        %dma_start3A_80 = arith.constant 0 : i32
        %dma_start3A_81 = tpu.memref_slice %arg6[%dma_start3A_80] : memref<192xi32, #tpu.memory_space<vmem>> -> memref<189xi32, #tpu.memory_space<vmem>>
        %dma_start3A_82 = arith.constant 11072 : i32
        %dma_start3A_83 = tpu.memref_slice %arg3[%dma_start3A_82] : memref<11261xi32, #tpu.memory_space<hbm>> -> memref<189xi32, #tpu.memory_space<hbm>>
        tpu.enqueue_dma source(%dma_start3A_83 : memref<189xi32, #tpu.memory_space<hbm>>) target(%dma_start3A_81 : memref<189xi32, #tpu.memory_space<vmem>>) target_semaphore(%run_scoped3A : memref<!tpu.dma_semaphore, #tpu.memory_space<semaphore_mem>>)
        %dma_wait3A_84 = arith.constant 0 : i32
        %dma_wait3A_85 = tpu.memref_slice %arg6[%dma_wait3A_84] : memref<192xi32, #tpu.memory_space<vmem>> -> memref<189xi32, #tpu.memory_space<vmem>>
        %dma_wait3A_86 = arith.constant 11072 : i32
        %dma_wait3A_87 = tpu.memref_slice %arg3[%dma_wait3A_86] : memref<11261xi32, #tpu.memory_space<hbm>> -> memref<189xi32, #tpu.memory_space<hbm>>
        %dma_wait3A_88 = arith.constant 0 : i32
        %dma_wait3A_89 = tpu.memref_slice %arg6[%dma_wait3A_88] : memref<192xi32, #tpu.memory_space<vmem>> -> memref<189xi32, #tpu.memory_space<vmem>>
        %dma_wait3A_90 = arith.constant 11072 : i32
        %dma_wait3A_91 = tpu.memref_slice %arg3[%dma_wait3A_90] : memref<11261xi32, #tpu.memory_space<hbm>> -> memref<189xi32, #tpu.memory_space<hbm>>
        tpu.wait_dma2 semaphore(%run_scoped3A : memref<!tpu.dma_semaphore, #tpu.memory_space<semaphore_mem>>) src(%dma_wait3A_91 : memref<189xi32, #tpu.memory_space<hbm>>) dst(%dma_wait3A_89 : memref<189xi32, #tpu.memory_space<vmem>>)
        tpu.yield
      }) : () -> ()
    } else {
    }
    %dma_wait3A = tpu.memref_slice %arg3[%mul3A_5] : memref<11261xi32, #tpu.memory_space<hbm>> -> memref<512xi32, #tpu.memory_space<hbm>>
    %dma_wait3A_12 = tpu.memref_slice %arg3[%mul3A_5] : memref<11261xi32, #tpu.memory_space<hbm>> -> memref<512xi32, #tpu.memory_space<hbm>>
    tpu.wait_dma2 semaphore(%arg11 : memref<!tpu.dma_semaphore, #tpu.memory_space<semaphore_mem>>) src(%dma_wait3A_12 : memref<512xi32, #tpu.memory_space<hbm>>) dst(%arg5 : memref<512xi32, #tpu.memory_space<vmem>>)
    %scan3A = arith.constant 0 : i32
    %scan3A_13 = arith.constant 0 : i32
    %scan3A_14 = arith.constant 16 : i32
    %scan3A_15 = arith.addi %scan3A_13, %scan3A_14 : i32
    %scan3A_16 = arith.constant 2 : i32
    %scan3A_17 = scf.for %scan3A_76 = %scan3A_13 to %scan3A_15 step %scan3A_16 iter_args(%scan3A_77 = %scan3A) -> (i32)  : i32 {
      %mul3A_78 = arith.constant 16 : i32
      %mul3A_79 = arith.muli %scan3A_76, %mul3A_78 : i32
      %add3A_80 = vector.broadcast %mul3A_79 : i32 to vector<16xi32>
      %add3A_81 = arith.addi %iota3A, %add3A_80 : vector<16xi32>
      %mul3A_82 = arith.constant 2 : i32
      %mul3A_83 = vector.broadcast %mul3A_82 : i32 to vector<16xi32>
      %mul3A_84 = arith.muli %mul3A_83, %add3A_81 : vector<16xi32>
      %gather3A = tpu.vector_load_idx %arg5[%mul3A_84] : memref<512xi32, #tpu.memory_space<vmem>>[vector<16xi32>], vector<16xi32>,
      %add3A_85 = arith.constant 1 : i32
      %add3A_86 = vector.broadcast %add3A_85 : i32 to vector<16xi32>
      %add3A_87 = arith.addi %mul3A_84, %add3A_86 : vector<16xi32>
      %gather3A_88 = tpu.vector_load_idx %arg5[%add3A_87] : memref<512xi32, #tpu.memory_space<vmem>>[vector<16xi32>], vector<16xi32>,
      %mul3A_89 = arith.constant 1024 : i32
      %mul3A_90 = vector.broadcast %mul3A_89 : i32 to vector<16xi32>
      %mul3A_91 = arith.muli %gather3A, %mul3A_90 : vector<16xi32>
      %add3A_92 = arith.addi %mul3A_91, %gather3A_88 : vector<16xi32>
      %mul3A_93 = arith.constant 16 : i32
      %mul3A_94 = arith.muli %scan3A_76, %mul3A_93 : i32
      %swap3A = arith.index_cast %mul3A_94 : i32 to index
      %swap3A_95 = tpu.vector_load %arg7[%swap3A] {strides = array<i32>} : memref<256xi32, #tpu.memory_space<vmem>>, vector<16xi32>,
      tpu.vector_store %arg7[%swap3A], %add3A_92 {strides = array<i32>} : memref<256xi32, #tpu.memory_space<vmem>>, vector<16xi32>,
      %scan3A_96 = arith.constant 0 : i32
      %scan3A_97 = arith.constant 1 : i32
      %scan3A_98 = arith.addi %scan3A_76, %scan3A_97 : i32
      %mul3A_99 = arith.constant 16 : i32
      %mul3A_100 = arith.muli %scan3A_98, %mul3A_99 : i32
      %add3A_101 = vector.broadcast %mul3A_100 : i32 to vector<16xi32>
      %add3A_102 = arith.addi %iota3A, %add3A_101 : vector<16xi32>
      %mul3A_103 = arith.constant 2 : i32
      %mul3A_104 = vector.broadcast %mul3A_103 : i32 to vector<16xi32>
      %mul3A_105 = arith.muli %mul3A_104, %add3A_102 : vector<16xi32>
      %gather3A_106 = tpu.vector_load_idx %arg5[%mul3A_105] : memref<512xi32, #tpu.memory_space<vmem>>[vector<16xi32>], vector<16xi32>,
      %add3A_107 = arith.constant 1 : i32
      %add3A_108 = vector.broadcast %add3A_107 : i32 to vector<16xi32>
      %add3A_109 = arith.addi %mul3A_105, %add3A_108 : vector<16xi32>
      %gather3A_110 = tpu.vector_load_idx %arg5[%add3A_109] : memref<512xi32, #tpu.memory_space<vmem>>[vector<16xi32>], vector<16xi32>,
      %mul3A_111 = arith.constant 1024 : i32
      %mul3A_112 = vector.broadcast %mul3A_111 : i32 to vector<16xi32>
      %mul3A_113 = arith.muli %gather3A_106, %mul3A_112 : vector<16xi32>
      %add3A_114 = arith.addi %mul3A_113, %gather3A_110 : vector<16xi32>
      %mul3A_115 = arith.constant 16 : i32
      %mul3A_116 = arith.muli %scan3A_98, %mul3A_115 : i32
      %swap3A_117 = arith.index_cast %mul3A_116 : i32 to index
      %swap3A_118 = tpu.vector_load %arg7[%swap3A_117] {strides = array<i32>} : memref<256xi32, #tpu.memory_space<vmem>>, vector<16xi32>,
      tpu.vector_store %arg7[%swap3A_117], %add3A_114 {strides = array<i32>} : memref<256xi32, #tpu.memory_space<vmem>>, vector<16xi32>,
      %scan3A_119 = arith.constant 0 : i32
      scf.yield %scan3A_119 : i32
    }
    %scan3A_18 = arith.constant 16 : i32
    %scan3A_19 = arith.constant 0 : i32
    %scan3A_20 = arith.constant 0 : i32
    %scan3A_21 = arith.constant 8 : i32
    %scan3A_22 = arith.addi %scan3A_20, %scan3A_21 : i32
    %scan3A_23 = arith.constant 2 : i32
    %scan3A_24 = scf.for %scan3A_76 = %scan3A_20 to %scan3A_22 step %scan3A_23 iter_args(%scan3A_77 = %scan3A_19) -> (i32)  : i32 {
      %mul3A_78 = arith.constant 16 : i32
      %mul3A_79 = arith.muli %scan3A_76, %mul3A_78 : i32
      %add3A_80 = vector.broadcast %mul3A_79 : i32 to vector<16xi32>
      %add3A_81 = arith.addi %iota3A, %add3A_80 : vector<16xi32>
      %shift_right_arithmetic3A = arith.constant 1 : i32
      %shift_right_arithmetic3A_82 = vector.broadcast %shift_right_arithmetic3A : i32 to vector<16xi32>
      %shift_right_arithmetic3A_83 = arith.shrsi %add3A_81, %shift_right_arithmetic3A_82 : vector<16xi32>
      %mul3A_84 = arith.constant 3 : i32
      %mul3A_85 = vector.broadcast %mul3A_84 : i32 to vector<16xi32>
      %mul3A_86 = arith.muli %mul3A_85, %shift_right_arithmetic3A_83 : vector<16xi32>
      %and3A = arith.constant 1 : i32
      %and3A_87 = vector.broadcast %and3A : i32 to vector<16xi32>
      %and3A_88 = arith.andi %add3A_81, %and3A_87 : vector<16xi32>
      %add3A_89 = arith.addi %mul3A_86, %and3A_88 : vector<16xi32>
      %gather3A = tpu.vector_load_idx %arg6[%add3A_89] : memref<192xi32, #tpu.memory_space<vmem>>[vector<16xi32>], vector<16xi32>,
      %mul3A_90 = arith.constant 2 : i32
      %mul3A_91 = vector.broadcast %mul3A_90 : i32 to vector<16xi32>
      %mul3A_92 = arith.muli %mul3A_91, %and3A_88 : vector<16xi32>
      %add3A_93 = arith.addi %mul3A_86, %mul3A_92 : vector<16xi32>
      %gather3A_94 = tpu.vector_load_idx %arg6[%add3A_93] : memref<192xi32, #tpu.memory_space<vmem>>[vector<16xi32>], vector<16xi32>,
      %mul3A_95 = arith.constant 1024 : i32
      %mul3A_96 = vector.broadcast %mul3A_95 : i32 to vector<16xi32>
      %mul3A_97 = arith.muli %gather3A, %mul3A_96 : vector<16xi32>
      %add3A_98 = arith.addi %mul3A_97, %gather3A_94 : vector<16xi32>
      %and3A_99 = arith.constant 1048575 : i32
      %and3A_100 = vector.broadcast %and3A_99 : i32 to vector<16xi32>
      %and3A_101 = arith.andi %add3A_98, %and3A_100 : vector<16xi32>
      %mul3A_102 = arith.constant 16 : i32
      %mul3A_103 = arith.muli %scan3A_76, %mul3A_102 : i32
      %swap3A = arith.index_cast %mul3A_103 : i32 to index
      %swap3A_104 = tpu.vector_load %arg8[%swap3A] {strides = array<i32>} : memref<128xi32, #tpu.memory_space<vmem>>, vector<16xi32>,
      tpu.vector_store %arg8[%swap3A], %and3A_101 {strides = array<i32>} : memref<128xi32, #tpu.memory_space<vmem>>, vector<16xi32>,
      %scan3A_105 = arith.constant 0 : i32
      %scan3A_106 = arith.constant 1 : i32
      %scan3A_107 = arith.addi %scan3A_76, %scan3A_106 : i32
      %mul3A_108 = arith.constant 16 : i32
      %mul3A_109 = arith.muli %scan3A_107, %mul3A_108 : i32
      %add3A_110 = vector.broadcast %mul3A_109 : i32 to vector<16xi32>
      %add3A_111 = arith.addi %iota3A, %add3A_110 : vector<16xi32>
      %shift_right_arithmetic3A_112 = arith.constant 1 : i32
      %shift_right_arithmetic3A_113 = vector.broadcast %shift_right_arithmetic3A_112 : i32 to vector<16xi32>
      %shift_right_arithmetic3A_114 = arith.shrsi %add3A_111, %shift_right_arithmetic3A_113 : vector<16xi32>
      %mul3A_115 = arith.constant 3 : i32
      %mul3A_116 = vector.broadcast %mul3A_115 : i32 to vector<16xi32>
      %mul3A_117 = arith.muli %mul3A_116, %shift_right_arithmetic3A_114 : vector<16xi32>
      %and3A_118 = arith.constant 1 : i32
      %and3A_119 = vector.broadcast %and3A_118 : i32 to vector<16xi32>
      %and3A_120 = arith.andi %add3A_111, %and3A_119 : vector<16xi32>
      %add3A_121 = arith.addi %mul3A_117, %and3A_120 : vector<16xi32>
      %gather3A_122 = tpu.vector_load_idx %arg6[%add3A_121] : memref<192xi32, #tpu.memory_space<vmem>>[vector<16xi32>], vector<16xi32>,
      %mul3A_123 = arith.constant 2 : i32
      %mul3A_124 = vector.broadcast %mul3A_123 : i32 to vector<16xi32>
      %mul3A_125 = arith.muli %mul3A_124, %and3A_120 : vector<16xi32>
      %add3A_126 = arith.addi %mul3A_117, %mul3A_125 : vector<16xi32>
      %gather3A_127 = tpu.vector_load_idx %arg6[%add3A_126] : memref<192xi32, #tpu.memory_space<vmem>>[vector<16xi32>], vector<16xi32>,
      %mul3A_128 = arith.constant 1024 : i32
      %mul3A_129 = vector.broadcast %mul3A_128 : i32 to vector<16xi32>
      %mul3A_130 = arith.muli %gather3A_122, %mul3A_129 : vector<16xi32>
      %add3A_131 = arith.addi %mul3A_130, %gather3A_127 : vector<16xi32>
      %and3A_132 = arith.constant 1048575 : i32
      %and3A_133 = vector.broadcast %and3A_132 : i32 to vector<16xi32>
      %and3A_134 = arith.andi %add3A_131, %and3A_133 : vector<16xi32>
      %mul3A_135 = arith.constant 16 : i32
      %mul3A_136 = arith.muli %scan3A_107, %mul3A_135 : i32
      %swap3A_137 = arith.index_cast %mul3A_136 : i32 to index
      %swap3A_138 = tpu.vector_load %arg8[%swap3A_137] {strides = array<i32>} : memref<128xi32, #tpu.memory_space<vmem>>, vector<16xi32>,
      tpu.vector_store %arg8[%swap3A_137], %and3A_134 {strides = array<i32>} : memref<128xi32, #tpu.memory_space<vmem>>, vector<16xi32>,
      %scan3A_139 = arith.constant 0 : i32
      scf.yield %scan3A_139 : i32
    }
    %scan3A_25 = arith.constant 8 : i32
    %dma_start3A_26 = arith.constant 0 : i32
    %dma_start3A_27 = tpu.memref_slice %arg9[%dma_start3A_26] : memref<256xf32, #tpu.memory_space<vmem>> -> memref<128xf32, #tpu.memory_space<vmem>>
    %dma_start3A_28 = arith.constant 0 : i32
    %dma_start3A_29 = tpu.memref_slice %arg7[%dma_start3A_28] : memref<256xi32, #tpu.memory_space<vmem>> -> memref<128xi32, #tpu.memory_space<vmem>>
    %dma_start3A_30 = arith.constant 0 : i32
    %dma_start3A_31 = tpu.memref_slice %arg2[%dma_start3A_30] : memref<1048576xf32, #tpu.memory_space<hbm>> -> memref<1048576xf32, #tpu.memory_space<hbm>>
    tpu.enqueue_indirect_dma source(%dma_start3A_31 : memref<1048576xf32, #tpu.memory_space<hbm>>) target(%dma_start3A_27 : memref<128xf32, #tpu.memory_space<vmem>>) offsets(%dma_start3A_29 : memref<128xi32, #tpu.memory_space<vmem>>) semaphore(%arg11 : memref<!tpu.dma_semaphore, #tpu.memory_space<semaphore_mem>>)
    %dma_start3A_32 = arith.constant 128 : i32
    %dma_start3A_33 = tpu.memref_slice %arg9[%dma_start3A_32] : memref<256xf32, #tpu.memory_space<vmem>> -> memref<128xf32, #tpu.memory_space<vmem>>
    %dma_start3A_34 = arith.constant 128 : i32
    %dma_start3A_35 = tpu.memref_slice %arg7[%dma_start3A_34] : memref<256xi32, #tpu.memory_space<vmem>> -> memref<128xi32, #tpu.memory_space<vmem>>
    %dma_start3A_36 = arith.constant 0 : i32
    %dma_start3A_37 = tpu.memref_slice %arg2[%dma_start3A_36] : memref<1048576xf32, #tpu.memory_space<hbm>> -> memref<1048576xf32, #tpu.memory_space<hbm>>
    tpu.enqueue_indirect_dma source(%dma_start3A_37 : memref<1048576xf32, #tpu.memory_space<hbm>>) target(%dma_start3A_33 : memref<128xf32, #tpu.memory_space<vmem>>) offsets(%dma_start3A_35 : memref<128xi32, #tpu.memory_space<vmem>>) semaphore(%arg11 : memref<!tpu.dma_semaphore, #tpu.memory_space<semaphore_mem>>)
    %dma_start3A_38 = arith.constant 0 : i32
    %dma_start3A_39 = tpu.memref_slice %arg10[%dma_start3A_38] : memref<128xf32, #tpu.memory_space<vmem>> -> memref<128xf32, #tpu.memory_space<vmem>>
    %dma_start3A_40 = arith.constant 0 : i32
    %dma_start3A_41 = tpu.memref_slice %arg8[%dma_start3A_40] : memref<128xi32, #tpu.memory_space<vmem>> -> memref<128xi32, #tpu.memory_space<vmem>>
    %dma_start3A_42 = arith.constant 0 : i32
    %dma_start3A_43 = tpu.memref_slice %arg2[%dma_start3A_42] : memref<1048576xf32, #tpu.memory_space<hbm>> -> memref<1048576xf32, #tpu.memory_space<hbm>>
    tpu.enqueue_indirect_dma source(%dma_start3A_43 : memref<1048576xf32, #tpu.memory_space<hbm>>) target(%dma_start3A_39 : memref<128xf32, #tpu.memory_space<vmem>>) offsets(%dma_start3A_41 : memref<128xi32, #tpu.memory_space<vmem>>) semaphore(%arg11 : memref<!tpu.dma_semaphore, #tpu.memory_space<semaphore_mem>>)
    %dma_wait3A_44 = arith.constant 0 : i32
    %dma_wait3A_45 = tpu.memref_slice %arg9[%dma_wait3A_44] : memref<256xf32, #tpu.memory_space<vmem>> -> memref<128xf32, #tpu.memory_space<vmem>>
    %dma_wait3A_46 = arith.constant 0 : i32
    %dma_wait3A_47 = tpu.memref_slice %arg7[%dma_wait3A_46] : memref<256xi32, #tpu.memory_space<vmem>> -> memref<128xi32, #tpu.memory_space<vmem>>
    %dma_wait3A_48 = arith.constant 0 : i32
    %dma_wait3A_49 = tpu.memref_slice %arg2[%dma_wait3A_48] : memref<1048576xf32, #tpu.memory_space<hbm>> -> memref<1048576xf32, #tpu.memory_space<hbm>>
    tpu.wait_indirect_dma semaphore(%arg11 : memref<!tpu.dma_semaphore, #tpu.memory_space<semaphore_mem>>) src(%dma_wait3A_49 : memref<1048576xf32, #tpu.memory_space<hbm>>) dst(%dma_wait3A_45 : memref<128xf32, #tpu.memory_space<vmem>>)
    %dma_wait3A_50 = arith.constant 128 : i32
    %dma_wait3A_51 = tpu.memref_slice %arg9[%dma_wait3A_50] : memref<256xf32, #tpu.memory_space<vmem>> -> memref<128xf32, #tpu.memory_space<vmem>>
    %dma_wait3A_52 = arith.constant 128 : i32
    %dma_wait3A_53 = tpu.memref_slice %arg7[%dma_wait3A_52] : memref<256xi32, #tpu.memory_space<vmem>> -> memref<128xi32, #tpu.memory_space<vmem>>
    %dma_wait3A_54 = arith.constant 0 : i32
    %dma_wait3A_55 = tpu.memref_slice %arg2[%dma_wait3A_54] : memref<1048576xf32, #tpu.memory_space<hbm>> -> memref<1048576xf32, #tpu.memory_space<hbm>>
    tpu.wait_indirect_dma semaphore(%arg11 : memref<!tpu.dma_semaphore, #tpu.memory_space<semaphore_mem>>) src(%dma_wait3A_55 : memref<1048576xf32, #tpu.memory_space<hbm>>) dst(%dma_wait3A_51 : memref<128xf32, #tpu.memory_space<vmem>>)
    %dma_wait3A_56 = arith.constant 0 : i32
    %dma_wait3A_57 = tpu.memref_slice %arg10[%dma_wait3A_56] : memref<128xf32, #tpu.memory_space<vmem>> -> memref<128xf32, #tpu.memory_space<vmem>>
    %dma_wait3A_58 = arith.constant 0 : i32
    %dma_wait3A_59 = tpu.memref_slice %arg8[%dma_wait3A_58] : memref<128xi32, #tpu.memory_space<vmem>> -> memref<128xi32, #tpu.memory_space<vmem>>
    %dma_wait3A_60 = arith.constant 0 : i32
    %dma_wait3A_61 = tpu.memref_slice %arg2[%dma_wait3A_60] : memref<1048576xf32, #tpu.memory_space<hbm>> -> memref<1048576xf32, #tpu.memory_space<hbm>>
    tpu.wait_indirect_dma semaphore(%arg11 : memref<!tpu.dma_semaphore, #tpu.memory_space<semaphore_mem>>) src(%dma_wait3A_61 : memref<1048576xf32, #tpu.memory_space<hbm>>) dst(%dma_wait3A_57 : memref<128xf32, #tpu.memory_space<vmem>>)
    %mul3A_62 = arith.constant 256 : i32
    %mul3A_63 = arith.muli %add3A, %mul3A_62 : i32
    %dma_start3A_64 = tpu.memref_slice %arg4[%mul3A_63] : memref<6142xf32, #tpu.memory_space<hbm>> -> memref<256xf32, #tpu.memory_space<hbm>>
    %dma_start3A_65 = tpu.memref_slice %arg4[%mul3A_63] : memref<6142xf32, #tpu.memory_space<hbm>> -> memref<256xf32, #tpu.memory_space<hbm>>
    tpu.enqueue_dma source(%arg9 : memref<256xf32, #tpu.memory_space<vmem>>) target(%dma_start3A_65 : memref<256xf32, #tpu.memory_space<hbm>>) target_semaphore(%arg11 : memref<!tpu.dma_semaphore, #tpu.memory_space<semaphore_mem>>)
    %not3A_66 = arith.constant true
    %not3A_67 = arith.xori %eq3A_1, %not3A_66 : i1
    %convert_element_type3A_68 = arith.extui %not3A_67 : i1 to i32
    %cond3A_69 = arith.constant 0 : i32
    %cond3A_70 = arith.cmpi ne, %convert_element_type3A_68, %cond3A_69 : i32
    scf.if %cond3A_70 {
      %mul3A_76 = arith.constant 128 : i32
      %mul3A_77 = arith.muli %add3A, %mul3A_76 : i32
      %add3A_78 = arith.constant 4096 : i32
      %add3A_79 = arith.addi %add3A_78, %mul3A_77 : i32
      "tpu.region"() ({
        %run_scoped3A = tpu.sem_alloc : memref<!tpu.dma_semaphore, #tpu.memory_space<semaphore_mem>>
        %dma_start3A_80 = tpu.memref_slice %arg4[%add3A_79] : memref<6142xf32, #tpu.memory_space<hbm>> -> memref<128xf32, #tpu.memory_space<hbm>>
        %dma_start3A_81 = tpu.memref_slice %arg4[%add3A_79] : memref<6142xf32, #tpu.memory_space<hbm>> -> memref<128xf32, #tpu.memory_space<hbm>>
        tpu.enqueue_dma source(%arg10 : memref<128xf32, #tpu.memory_space<vmem>>) target(%dma_start3A_81 : memref<128xf32, #tpu.memory_space<hbm>>) target_semaphore(%run_scoped3A : memref<!tpu.dma_semaphore, #tpu.memory_space<semaphore_mem>>)
        %dma_wait3A_82 = tpu.memref_slice %arg4[%add3A_79] : memref<6142xf32, #tpu.memory_space<hbm>> -> memref<128xf32, #tpu.memory_space<hbm>>
        %dma_wait3A_83 = tpu.memref_slice %arg4[%add3A_79] : memref<6142xf32, #tpu.memory_space<hbm>> -> memref<128xf32, #tpu.memory_space<hbm>>
        tpu.wait_dma2 semaphore(%run_scoped3A : memref<!tpu.dma_semaphore, #tpu.memory_space<semaphore_mem>>) src(%arg10 : memref<128xf32, #tpu.memory_space<vmem>>) dst(%dma_wait3A_83 : memref<128xf32, #tpu.memory_space<hbm>>)
        tpu.yield
      }) : () -> ()
    } else {
    }
    %convert_element_type3A_71 = arith.extui %eq3A_1 : i1 to i32
    %cond3A_72 = arith.constant 0 : i32
    %cond3A_73 = arith.cmpi ne, %convert_element_type3A_71, %cond3A_72 : i32
    scf.if %cond3A_73 {
      "tpu.region"() ({
        %run_scoped3A = tpu.sem_alloc : memref<!tpu.dma_semaphore, #tpu.memory_space<semaphore_mem>>
        %dma_start3A_76 = arith.constant 0 : i32
        %dma_start3A_77 = tpu.memref_slice %arg10[%dma_start3A_76] : memref<128xf32, #tpu.memory_space<vmem>> -> memref<126xf32, #tpu.memory_space<vmem>>
        %dma_start3A_78 = arith.constant 6016 : i32
        %dma_start3A_79 = tpu.memref_slice %arg4[%dma_start3A_78] : memref<6142xf32, #tpu.memory_space<hbm>> -> memref<126xf32, #tpu.memory_space<hbm>>
        %dma_start3A_80 = arith.constant 6016 : i32
        %dma_start3A_81 = tpu.memref_slice %arg4[%dma_start3A_80] : memref<6142xf32, #tpu.memory_space<hbm>> -> memref<126xf32, #tpu.memory_space<hbm>>
        %dma_start3A_82 = arith.constant 0 : i32
        %dma_start3A_83 = tpu.memref_slice %arg10[%dma_start3A_82] : memref<128xf32, #tpu.memory_space<vmem>> -> memref<126xf32, #tpu.memory_space<vmem>>
        tpu.enqueue_dma source(%dma_start3A_83 : memref<126xf32, #tpu.memory_space<vmem>>) target(%dma_start3A_81 : memref<126xf32, #tpu.memory_space<hbm>>) target_semaphore(%run_scoped3A : memref<!tpu.dma_semaphore, #tpu.memory_space<semaphore_mem>>)
        %dma_wait3A_84 = arith.constant 0 : i32
        %dma_wait3A_85 = tpu.memref_slice %arg10[%dma_wait3A_84] : memref<128xf32, #tpu.memory_space<vmem>> -> memref<126xf32, #tpu.memory_space<vmem>>
        %dma_wait3A_86 = arith.constant 6016 : i32
        %dma_wait3A_87 = tpu.memref_slice %arg4[%dma_wait3A_86] : memref<6142xf32, #tpu.memory_space<hbm>> -> memref<126xf32, #tpu.memory_space<hbm>>
        %dma_wait3A_88 = arith.constant 6016 : i32
        %dma_wait3A_89 = tpu.memref_slice %arg4[%dma_wait3A_88] : memref<6142xf32, #tpu.memory_space<hbm>> -> memref<126xf32, #tpu.memory_space<hbm>>
        %dma_wait3A_90 = arith.constant 0 : i32
        %dma_wait3A_91 = tpu.memref_slice %arg10[%dma_wait3A_90] : memref<128xf32, #tpu.memory_space<vmem>> -> memref<126xf32, #tpu.memory_space<vmem>>
        tpu.wait_dma2 semaphore(%run_scoped3A : memref<!tpu.dma_semaphore, #tpu.memory_space<semaphore_mem>>) src(%dma_wait3A_91 : memref<126xf32, #tpu.memory_space<vmem>>) dst(%dma_wait3A_89 : memref<126xf32, #tpu.memory_space<hbm>>)
        tpu.yield
      }) : () -> ()
    } else {
    }
    %dma_wait3A_74 = tpu.memref_slice %arg4[%mul3A_63] : memref<6142xf32, #tpu.memory_space<hbm>> -> memref<256xf32, #tpu.memory_space<hbm>>
    %dma_wait3A_75 = tpu.memref_slice %arg4[%mul3A_63] : memref<6142xf32, #tpu.memory_space<hbm>> -> memref<256xf32, #tpu.memory_space<hbm>>
    tpu.wait_dma2 semaphore(%arg11 : memref<!tpu.dma_semaphore, #tpu.memory_space<semaphore_mem>>) src(%arg9 : memref<256xf32, #tpu.memory_space<vmem>>) dst(%dma_wait3A_75 : memref<256xf32, #tpu.memory_space<hbm>>)
    return
  }
}

</mosaic_0001>

<sc_bundles>
// kernel: kernel.3.cloned.1.call-start
scs
__scs_entry_jumppad:
0x0: {  	(pc) =	sbr.rel $0x88, $3  }
0x1: {  	(tag) =	ssettag $0x0;
	lr =	simm.s32 $0x1  }
0x2: {  	[smem:$0x3F9E] =	sst lr;
	_ =	strace $0xD0000000  }
0x3: {  	_ = 	snop  }
0x4: {  	_ = 	snop  }
0x5: {  	_ = 	snop  }
0x6: {  	_ = 	snop  }
0x7: {  	_ = 	snop  }
__scs_overlays_trampoline_lowered:
0x8: {  	[smem:$0x3FAD] =	sst s0  }
0x9: {  	[smem:$0x3FAE] =	sst s1  }
0xa: {  	[smem:$0x3FAF] =	sst s2  }
0xb: {  	[smem:$0x3FB0] =	sst s3  }
0xc: {  	[smem:$0x3FB1] =	sst s4  }
0xd: {  	[smem:$0x3FB2] =	sst s5  }
0xe: {  	[smem:$0x3FB3] =	sst s6  }
0xf: {  	[smem:$0x3FB4] =	sst s7  }
0x10: {  	[smem:$0x3FB5] =	sst s8  }
0x11: {  	[smem:$0x3FB6] =	sst s9;
	s0 =	simm.s32 @!p0 $0x0  }
0x12: {  	s1 =	sld [smem:$0x3F9C];
	s0 =	simm.s32 @p0 $0x1  }
0x13: {  	[smem:$0x3FB7] =	sst s0;
	s0 =	simm.s32 @!p1 $0x0  }
0x14: {  	s2 =	sld [smem:$0x3F9B];
	s0 =	simm.s32 @p1 $0x1  }
0x15: {  	[smem:$0x3FB8] =	sst s0;
	s0 =	simm.s32 @!p2 $0x0  }
0x16: {  	s3 =	sld [smem:$0x3FDB];
	s0 =	simm.s32 @p2 $0x1  }
0x17: {  	s4 =	simm.s32 $0x1BF5;
	[smem:$0x3FBA] =	sst s0  }
0x18: {  	s0 =	sld [smem:$0x3F9D];
	_ =	swait.ge [sflag:s4], $0x0  }
0x19: {  	s7 =	sld [smem:$0x3F9E]  }
0x1a: {  	s8 =	sadd.s32 $0xFFFFE003, lr  }
0x1b: {  	s9 =	sadd.s32 $0xFFFFFEF7, lr;
	s5 =	simm.s32 $0xFFFFFFFF;
	p2 =	slt.u32 s8, $0xFFFFF086  }
0x1c: {  	p1 =	slt.u32 s9, $0xF7A;
	s5 =	simm.s32 @!p2 $0x0  }
0x1d: {  	s5 =	simm.s32 @p1 $0x1;
	p0 =	seq.s32 s7, s2  }
0x1e: {  	s7 =	smul.u32 @!p0 $0xF7A, s2;
	p2 =	seq.s32 @!p0 s5, $0x0  }
0x1f: {  	s9 =	smul.u32 $0xF7A, s1;
	s8 =	simm.s32 @!p0 $0x1BF5;
	p2 =	por !p2, p0  }
0x20: {  	[sflag:s8] =	ssyncset.s32 @!p0 $0xFFFFF086;
	s6 =	sadd.s32 @!p0 s3, s7;
	s7 =	simm.s32 @!p0 $0x108  }
0x21: {  	s3 =	sadd.s32 s3, s9;
	s6 =	sadd.s32 @!p0 $0x88, s6;
	s7 =	simm.s32 @p2 $0x1082  }
0x22: {  	[simem:s7], [sflag:s8] =	dma.local @!p0 [hbm:s6], $0xF7A  }
0x23: {  	s9 =	sor.u32 $0xD0000000, s2;
	s6 =	simm.s32 $0x108;
	_ =	swait.ge @!p0 [sflag:s8], $0x0  }
0x24: {  	s3 =	sadd.s32 $0x88, s3;
	s6 =	simm.s32 @!p1 $0x1082;
	[sflag:s4] =	ssyncset.s32 $0xFFFFF086  }
0x25: {  	[simem:s6], [sflag:s4] =	dma.local [hbm:s3], $0xF7A  }
0x26: {  	[smem:$0x3F9E] =	sst s1;
	(tag) =	ssettag s2;
	_ =	strace s9  }
0x27: {  	s1 =	sld [smem:$0x3FAE]  }
0x28: {  	s2 =	sld [smem:$0x3FAF]  }
0x29: {  	s4 =	sld [smem:$0x3FB1]  }
0x2a: {  	p0 =	seq.s32 s5, $0x0;
	s5 =	sld [smem:$0x3FB2]  }
0x2b: {  	s6 =	sld [smem:$0x3FB3]  }
0x2c: {  	s7 =	sld [smem:$0x3FB4]  }
0x2d: {  	s3 =	simm.s32 $0x108;
	s8 =	sld [smem:$0x3FB5]  }
0x2e: {  	s3 =	simm.s32 @!p0 $0x1082;
	s9 =	sld [smem:$0x3FB6]  }
0x2f: {  	lr =	sadd.s32 s0, s3;
	s0 =	sld [smem:$0x3FAD]  }
0x30: {  	s3 =	sld [smem:$0x3FB0]  }
0x31: {  	[smem:$0x3FB9] =	sst s10  }
0x32: {  	s10 =	sld [smem:$0x3FB7];
	_ =	sdelay $0x3  }
0x33: {  	p0 =	seq.s32 s10, $0x1;
	s10 =	sld [smem:$0x3FB9];
	_ =	sdelay $0x3  }
0x34: {  	[smem:$0x3FB9] =	sst s10  }
0x35: {  	s10 =	sld [smem:$0x3FB8];
	_ =	sdelay $0x3  }
0x36: {  	p1 =	seq.s32 s10, $0x1;
	s10 =	sld [smem:$0x3FB9];
	_ =	sdelay $0x3  }
0x37: {  	[smem:$0x3FB9] =	sst s10  }
0x38: {  	s10 =	sld [smem:$0x3FBA]  }
0x39: {  	_ = 	snop;
	(pc) =	sbr.ind lr, $3  }
0x3a: {  	_ = 	snop  }
0x3b: {  	_ = 	snop  }
0x3c: {  	p2 =	seq.s32 s10, $0x1;
	s10 =	sld [smem:$0x3FB9]  }
0x3d: {  	_ =	shalt  }
0x3e: {  	_ =	shalt  }
0x3f: {  	_ =	shalt  }
0x40: {  	_ =	shalt  }
0x41: {  	_ =	shalt  }
0x42: {  	_ =	shalt  }
0x43: {  	_ =	shalt  }
0x44: {  	_ =	shalt  }
0x45: {  	_ =	shalt  }
0x46: {  	_ =	shalt  }
0x47: {  	_ =	shalt  }
0x48: {  	_ =	shalt  }
0x49: {  	_ =	shalt  }
0x4a: {  	_ =	shalt  }
0x4b: {  	_ =	shalt  }
0x4c: {  	_ =	shalt  }
0x4d: {  	_ =	shalt  }
0x4e: {  	_ =	shalt  }
0x4f: {  	_ =	shalt  }
0x50: {  	_ =	shalt  }
0x51: {  	_ =	shalt  }
0x52: {  	_ =	shalt  }
0x53: {  	_ =	shalt  }
0x54: {  	_ =	shalt  }
0x55: {  	_ =	shalt  }
0x56: {  	_ =	shalt  }
0x57: {  	_ =	shalt  }
0x58: {  	_ =	shalt  }
0x59: {  	_ =	shalt  }
0x5a: {  	_ =	shalt  }
0x5b: {  	_ =	shalt  }
0x5c: {  	_ =	shalt  }
0x5d: {  	_ =	shalt  }
0x5e: {  	_ =	shalt  }
0x5f: {  	_ =	shalt  }
0x60: {  	_ =	shalt  }
0x61: {  	_ =	shalt  }
0x62: {  	_ =	shalt  }
0x63: {  	_ =	shalt  }
0x64: {  	_ =	shalt  }
0x65: {  	_ =	shalt  }
0x66: {  	_ =	shalt  }
0x67: {  	_ =	shalt  }
0x68: {  	_ =	shalt  }
0x69: {  	_ =	shalt  }
0x6a: {  	_ =	shalt  }
0x6b: {  	_ =	shalt  }
0x6c: {  	_ =	shalt  }
0x6d: {  	_ =	shalt  }
0x6e: {  	_ =	shalt  }
0x6f: {  	_ =	shalt  }
0x70: {  	_ =	shalt  }
0x71: {  	_ =	shalt  }
0x72: {  	_ =	shalt  }
0x73: {  	_ =	shalt  }
0x74: {  	_ =	shalt  }
0x75: {  	_ =	shalt  }
0x76: {  	_ =	shalt  }
0x77: {  	_ =	shalt  }
0x78: {  	_ =	shalt  }
0x79: {  	_ =	shalt  }
0x7a: {  	_ =	shalt  }
0x7b: {  	_ =	shalt  }
0x7c: {  	_ =	shalt  }
0x7d: {  	_ =	shalt  }
0x7e: {  	_ =	shalt  }
0x7f: {  	_ =	shalt  }
0x80: {  	_ =	shalt  }
0x81: {  	_ =	shalt  }
0x82: {  	_ =	shalt  }
0x83: {  	_ =	shalt  }
0x84: {  	_ =	shalt  }
0x85: {  	_ =	shalt  }
0x86: {  	_ =	shalt  }
0x87: {  	_ =	shalt  }
.Lfunc_end0:
.L_simem_size_0:
called_computation_lowered:
.L_overlay_start_0:
0x88: {  	s0 =	sld [smem:$0x3FD9]  }
0x89: {  	s1 =	sld [smem:$0x3FFE];
	_ =	sdelay $0x3  }
0x8a: {  	s0 =	sadd.s32 s1, s0  }
0x8b: {  	[smem:$0x3FC5] =	sst s0  }
0x8c: {  	_ = 	snop  }
0x8d: {  	(tm) =	ssettm $0x1  }
0x8e: {  	s15 =	sld [smem:$0x3FFB];
	_ =	sdelay $0x3  }
0x8f: {  	_ =	strace s15  }
0x90: {  	s0 =	sld [smem:$0x3FFC];
	_ =	sdelay $0x3  }
0x91: {  	_ =	strace s0  }
0x92: {  	s0 =	sld [smem:$0x3FFD];
	_ =	sdelay $0x3  }
0x93: {  	_ =	strace s0  }
0x94: {  	_ =	strace $0x8FFFFFFF  }
0x95: {  	s16 =	sld [smem:$0x3FDB];
	_ =	sdelay $0x1  }
0x96: {  	s17 =	simm.s32 $_scs_section_size  }
0x97: {  	s2 =	simm.s32 $_size__tile_overlayer_lowered;
	s3 =	simm.s32 $_tile_overlayer_lowered  }
0x98: {  	s20 =	simm.s32 $0x1BFF;
	s19 =	sshll.u32 s3, $0x1;
	s0 =	sadd.s32 s17, s16  }
0x99: {  	s4 =	simm.s32 $0x0;
	s18 =	sshll.u32 s2, $0x1;
	s2 =	sadd.s32 s19, s0  }
0x9a: {  	[timem:s4], [sflag:s20] =	dma.local [hbm:s2], s18  }
0x9b: {  	_ =	swait.ge [sflag:s20], s18  }
0x9c: {  	s1 =	ssub.s32 $0x0, s18;
	[sflag:s20] =	ssyncset.done $0x0  }
0x9d: {  	[sflag:s20] =	ssyncadd.s32 s1;
	_ =	sdelay $0x1  }
0x9e: {  	s21 =	simm.s32 $0x1B8B  }
0x9f: {  	_ =	swait.ge [sflag:s21], $0x1  }
0xa0: {  	[sflag:s21] =	ssyncset.done $0x0  }
0xa1: {  	s23 =	simm.s32 $0x1B8E;
	s22 =	sld [smem:$0x3FFE];
	[sflag:s21] =	ssyncadd.s32 $0xFFFFFFFF  }
0xa2: {  	s24 =	simm.s32 $execute0_lowered;
	[smem:$0x3FD2] =	sst s23  }
0xa3: {  	s2 =	sshll.u32 s24, $0x1;
	_ =	strace $0x80000046;
	[dreg:$0x1] =	wrdreg $0xFFFFFFFF  }
0xa4: {  	s25 =	simm.s32 $_size_execute0_lowered;
	s0 =	sadd.s32 s0, s2;
	[dreg:$0x0] =	wrdreg $0x0  }
0xa5: {  	s2 =	sshll.u32 s25, $0x1;
	[dreg:$0x2] =	wrdreg s0  }
0xa6: {  	[dreg:$0x3] =	wrdreg s2  }
0xa7: {  	[dreg:$0x4] =	wrdreg $0xC0  }
0xa8: {  	_ =	task [dreg:s4], $0x5FFFF  }
0xa9: {  	[dreg:$0x1] =	wrdreg $0xFFFFFFFF  }
0xaa: {  	[dreg:$0x0] =	wrdreg $0x60  }
0xab: {  	[dreg:$0x2] =	wrdreg s22  }
0xac: {  	[dreg:$0x3] =	wrdreg $0x9  }
0xad: {  	_ =	task.clear_ibuf [dreg:s4], $0x4FFFF;
	_ =	strace $0x90000046  }
0xae: {  	s26 =	simm.s32 $0x9;
	_ =	strace $0x80000048  }
0xaf: {  	_ =	swait.ge [sflag:s26], $0x1  }
0xb0: {  	[sflag:s26] =	ssyncadd.s32 $0xFFFFFFFF  }
0xb1: {  	_ =	strace $0x90000048  }
0xb2: {  	_ =	sfence  }
0xb3: {  	s28 =	sld [smem:$0x0];
	_ =	sdelay $0x1  }
0xb4: {  	s29 =	srdreg.scid  }
0xb5: {  	s30 =	sshll.u32 s29, $0xD;
	s31 =	sshrl.u32 s29, $0x2  }
0xb6: {  	s1 =	sand.u32 $0x1, s29;
	s2 =	sand.u32 $0x4000, s30;
	s0 =	sadd.s32 s31, s28  }
0xb7: {  	s1 =	sor.u32 s2, s1;
	s0 =	sshll.u32 s0, $0x11  }
0xb8: {  	s0 =	sor.u32 s0, s1  }
0xb9: {  	s0 =	sadd.s32 $0x8F2B, s0  }
0xba: {  	[sflag:s0] =	ssyncadd.remote.s32 $0x1  }
0xbb: {  	_ =	sfence.sel $0xFFFF  }
0xbc: {  	[dreg:$0x0] =	wrdreg $0xFFFFFFFF;
	(pc) =	sbr.abs _section_cstart, $3  }
0xbd: {  	[dreg:$0x1] =	wrdreg $0xFFFFFFFF  }
0xbe: {  	_ =	task.clear_ibuf [dreg:s4], $0x2FFFF;
	_ =	strace $0x9FFFFFFF  }
0xbf: {  	(tm) =	ssettm $0x7FFFFFFF  }
tec
execute0_lowered:
.L_overlay_start_1:
0x0: {  	(tag) =	ssettag $0x1  }
0x1: {  	s4 =	rddreg [dreg:$0x0]  }
0x2: {  	s0 =	rddreg [dreg:$0x1];
	s6 =	simm.s32 $0x0;
	s1 =	stileid.u32  }
0x3: {  	[smem:$0x7FF] =	sst s6;
	s2 =	sadd.s32 $0x20400, s4;
	s3 =	sshll.u32 s1, $0x6  }
0x4: {  	p0 =	seq.s32 s1, $0xF;
	_ =	strace $0x80000047;
	s3 =	sadd.s32 s2, s3  }
0x5: {  	[tilespmem:s6], [sflag:$0x1] =	stream.linear.gather [hbm4b:s3+s6], $0x200, $0x38;
	[tilespmem:$0x600] =	vst v63  }
0x6: {  	s5 =	simm.s32 @p0 $0x0;
	s7 =	simm.s32 @p0 $0x200;
	s3 =	sadd.s32 @p0 $0x568, s2  }
0x7: {  	[tilespmem:s7], [sflag:$0x2] =	stream.linear.gather @p0 [hbm4b:s3+s5], $0xBD, $0x38;
	[tilespmem:$0x600] =	vst v63  }
0x8: {  	s3 =	simm.s32 @p0 $0x2;
	s5 =	smul.u32 @!p0 $0x18, s1  }
0x9: {  	s26 =	simm.s32 $0x0;
	_ =	swait.ge @p0 [sflag:s3], $0xBD  }
0xa: {  	[sflag:s3] =	ssyncset.done @p0 $0x0;
	s2 =	sadd.s32 @!p0 s5, s2;
	s5 =	simm.s32 @!p0 $0x200  }
0xb: {  	[sflag:s3] =	ssyncadd.s32 @p0 $0xFFFFFF43;
	s2 =	sadd.s32 @!p0 $0x400, s2;
	s3 =	simm.s32 @!p0 $0x0  }
0xc: {  	v0 =	vlaneseq.u32;
	[tilespmem:s5], [sflag:$0x2] =	stream.linear.gather @!p0 [hbm4b:s2+s3], $0xC0, $0x38;
	[tilespmem:$0x600] =	vst v63  }
0xd: {  	v0 =	vmul.u32 $0x2, v0;
	v1 =	vmov s26;
	s3 =	simm.s32 @!p0 $0x2  }
0xe: {  	v1 =	vshll.u32 v1, $0x1;
	_ =	swait.ge @!p0 [sflag:s3], $0xC0  }
0xf: {  	v1 =	vor.u32 v0, v1;
	[sflag:s3] =	ssyncset.done @!p0 $0x0  }
0x10: {  	s28 =	simm.s32 $0x1;
	v2 =	vor.u32 $0x1, v1;
	[sflag:s3] =	ssyncadd.s32 @!p0 $0xFFFFFF40  }
0x11: {  	_ =	swait.ge [sflag:s28], $0x200  }
0x12: {  	[sflag:s28] =	ssyncset.done $0x0  }
0x13: {  	[sflag:s28] =	ssyncadd.s32 $0xFFFFFE00  }
0x14: {  	v1 =	vld.idx.msk [tilespmem:v1+s6+$0x0], $0xffff  }
0x15: {  	v2 =	vld.idx.msk [tilespmem:v2+s6+$0x0], $0xffff;
	_ =	sdelay $0x1  }
0x16: {  	s29 =	simm.s32 $0x10  }
0x17: {  	v3 =	vmov s29  }
0x18: {  	v3 =	vshll.u32 v3, $0x1;
	v1 =	vshll.u32 v1, $0xA  }
0x19: {  	v3 =	vor.u32 v0, v3;
	s7 =	simm.s32 $0x310;
	v1 =	vadd.s32 v2, v1  }
0x1a: {  	[tilespmem:s7+$0xFFFFFFF0] =	vst v1;
	v1 =	vor.u32 $0x1, v3  }
0x1b: {  	s30 =	sadd.s32 $0x20A00, s4;
	s31 =	sshll.u32 s1, $0x4  }
0x1c: {  	s8 =	sshll.u32 s1, $0x5;
	s9 =	sadd.s32 s31, s30  }
0x1d: {  	s5 =	sadd.s32 $0x400, s4;
	s2 =	sadd.s32 $0x200, s9;
	s4 =	sadd.s32 $0x20CF0, s4  }
0x1e: {  	s9 =	simm.s32 $0x30;
	s3 =	sadd.s32 s30, s8;
	s8 =	simm.s32 $0x0;
	v3 =	vld.idx.msk [tilespmem:v3+s6+$0x0], $0xffff  }
.LBB2_1:
0x1f: {  	s10 =	sadd.s32 $0xFFFFFFF0, s9;
	s8 =	sadd.s32 $0x2, s8;
	v1 =	vld.idx.msk [tilespmem:v1+s6+$0x0], $0xffff  }
0x20: {  	v2 =	vmov s10;
	p1 =	slt.u32 s8, $0xE  }
0x21: {  	v2 =	vshll.u32 v2, $0x1  }
0x22: {  	v2 =	vor.u32 v0, v2  }
0x23: {  	v4 =	vor.u32 $0x1, v2  }
0x24: {  	v3 =	vshll.u32 v3, $0xA  }
0x25: {  	v1 =	vadd.s32 v1, v3  }
0x26: {  	[tilespmem:s7+$0x0] =	vst v1  }
0x27: {  	v2 =	vld.idx.msk [tilespmem:v2+s6+$0x0], $0xffff  }
0x28: {  	v3 =	vld.idx.msk [tilespmem:v4+s6+$0x0], $0xffff  }
0x29: {  	v1 =	vmov s9  }
0x2a: {  	v1 =	vshll.u32 v1, $0x1  }
0x2b: {  	v4 =	vor.u32 v0, v1  }
.Ltmp0:
0x2c: {  	v1 =	vor.u32 $0x1, v4;
	(pc) =	sbr.rel @p1 .LBB2_1-.Ltmp0, $4  }
0x2d: {  	v2 =	vshll.u32 v2, $0xA  }
0x2e: {  	s7 =	sadd.s32 $0x20, s7;
	v2 =	vadd.s32 v3, v2  }
0x2f: {  	[tilespmem:s7+$0xFFFFFFF0] =	vst v2  }
0x30: {  	s9 =	sadd.s32 $0x20, s9;
	v3 =	vld.idx.msk [tilespmem:v4+s6+$0x0], $0xffff  }
0x31: {  	_ = 	snop  }
0x32: {  	v0 =	vlaneseq.u32;
	s8 =	simm.s32 $0x0  }
0x33: {  	v2 =	vor.u32 s8, v0  }
0x34: {  	v2 =	vshrl.u32 v2, $0x1  }
0x35: {  	v4 =	vld.idx.msk [tilespmem:v1+s6+$0x0], $0xffff;
	v1 =	vand.u32 $0x1, v0;
	v5 =	vmul.u32 $0x3, v2  }
0x36: {  	v2 =	vmul.u32 $0x2, v1  }
0x37: {  	v6 =	vadd.s32 v1, v5  }
0x38: {  	v5 =	vadd.s32 v2, v5  }
0x39: {  	v3 =	vshll.u32 v3, $0xA  }
0x3a: {  	v3 =	vadd.s32 v4, v3  }
0x3b: {  	s6 =	simm.s32 $0x200;
	[tilespmem:s7+$0x0] =	vst v3  }
0x3c: {  	v3 =	vld.idx.msk [tilespmem:v6+s6+$0x0], $0xffff  }
0x3d: {  	s31 =	simm.s32 $0x10;
	v4 =	vld.idx.msk [tilespmem:v5+s6+$0x0], $0xffff  }
0x3e: {  	v5 =	vor.u32 s31, v0  }
0x3f: {  	v5 =	vshrl.u32 v5, $0x1  }
0x40: {  	v5 =	vmul.u32 $0x3, v5  }
0x41: {  	v3 =	vshll.u32 v3, $0xA  }
0x42: {  	v3 =	vadd.s32 v4, v3;
	v4 =	vadd.s32 v1, v5  }
0x43: {  	v6 =	vand.u32 $0xFFFFF, v3;
	v3 =	vadd.s32 v2, v5;
	_ =	sdelay $0x1  }
0x44: {  	s7 =	simm.s32 $0x410  }
0x45: {  	s9 =	simm.s32 $0x30;
	s8 =	simm.s32 $0x0;
	[tilespmem:s7+$0xFFFFFFF0] =	vst v6  }
.LBB2_3:
0x46: {  	s10 =	sadd.s32 $0xFFFFFFF0, s9;
	s8 =	sadd.s32 $0x2, s8;
	v4 =	vld.idx.msk [tilespmem:v4+s6+$0x0], $0xffff  }
0x47: {  	v5 =	vor.u32 s10, v0;
	p1 =	slt.u32 s8, $0x6;
	v3 =	vld.idx.msk [tilespmem:v3+s6+$0x0], $0xffff  }
0x48: {  	v5 =	vshrl.u32 v5, $0x1  }
0x49: {  	v5 =	vmul.u32 $0x3, v5;
	_ =	sdelay $0x1  }
0x4a: {  	v6 =	vadd.s32 v1, v5  }
0x4b: {  	v5 =	vadd.s32 v2, v5;
	v4 =	vshll.u32 v4, $0xA  }
0x4c: {  	v3 =	vadd.s32 v3, v4  }
0x4d: {  	v3 =	vand.u32 $0xFFFFF, v3  }
0x4e: {  	[tilespmem:s7+$0x0] =	vst v3  }
0x4f: {  	v3 =	vld.idx.msk [tilespmem:v6+s6+$0x0], $0xffff  }
0x50: {  	v4 =	vor.u32 s9, v0;
	v5 =	vld.idx.msk [tilespmem:v5+s6+$0x0], $0xffff  }
0x51: {  	v4 =	vshrl.u32 v4, $0x1  }
0x52: {  	v6 =	vmul.u32 $0x3, v4;
	_ =	sdelay $0x1  }
.Ltmp1:
0x53: {  	v4 =	vadd.s32 v1, v6;
	(pc) =	sbr.rel @p1 .LBB2_3-.Ltmp1, $4  }
0x54: {  	v7 =	vshll.u32 v3, $0xA;
	v3 =	vadd.s32 v2, v6  }
0x55: {  	v5 =	vadd.s32 v5, v7  }
0x56: {  	s7 =	sadd.s32 $0x20, s7;
	v5 =	vand.u32 $0xFFFFF, v5  }
0x57: {  	s9 =	sadd.s32 $0x20, s9;
	[tilespmem:s7+$0xFFFFFFF0] =	vst v5  }
0x58: {  	_ =	sdelay $0x3  }
0x59: {  	v0 =	vld.idx.msk [tilespmem:v4+s6+$0x0], $0xffff  }
0x5a: {  	v1 =	vld.idx.msk [tilespmem:v3+s6+$0x0], $0xffff;
	_ =	sdelay $0x3  }
0x5b: {  	v0 =	vshll.u32 v0, $0xA  }
0x5c: {  	v0 =	vadd.s32 v1, v0  }
0x5d: {  	v0 =	vand.u32 $0xFFFFF, v0  }
0x5e: {  	s24 =	simm.s32 $0x80;
	s25 =	simm.s32 $0x300;
	s8 =	simm.s32 $0x480;
	[tilespmem:s7+$0x0] =	vst v0  }
0x5f: {  	[tilespmem:s8], [sflag:$0x1] =	stream.indirect.gather [hbm4b:s5+s24], $0x1, s25, s24, $0xb8;
	[tilespmem:$0x600] =	vst v63  }
0x60: {  	s26 =	simm.s32 $0x380;
	s9 =	simm.s32 $0x500  }
0x61: {  	[tilespmem:s9], [sflag:$0x1] =	stream.indirect.gather [hbm4b:s5+s24], $0x1, s26, s24, $0xb8;
	[tilespmem:$0x600] =	vst v63  }
0x62: {  	s28 =	simm.s32 $0x400;
	s29 =	simm.s32 $0x580;
	s30 =	simm.s32 $0x1  }
0x63: {  	[tilespmem:s29], [sflag:$0x1] =	stream.indirect.gather [hbm4b:s5+s24], $0x1, s28, s24, $0xb8;
	[tilespmem:$0x600] =	vst v63  }
0x64: {  	_ =	swait.ge [sflag:s30], $0x80  }
0x65: {  	[sflag:s30] =	ssyncset.done $0x0  }
0x66: {  	[sflag:s30] =	ssyncadd.s32 $0xFFFFFF80  }
0x67: {  	_ =	swait.ge [sflag:s30], $0x80  }
0x68: {  	[sflag:s30] =	ssyncset.done $0x0  }
0x69: {  	[sflag:s30] =	ssyncadd.s32 $0xFFFFFF80  }
0x6a: {  	_ =	swait.ge [sflag:s30], $0x80  }
0x6b: {  	[sflag:s30] =	ssyncset.done $0x0  }
0x6c: {  	s31 =	simm.s32 $0x0;
	[sflag:s30] =	ssyncadd.s32 $0xFFFFFF80  }
0x6d: {  	[hbm4b:s3+s31] =	stream.linear.scatter [tilespmem:s8], [sflag:$0x1], $0x100, $0x38;
	[tilespmem:$0x600] =	vst v63  }
0x6e: {  	s6 =	simm.s32 @p0 $0x580;
	s3 =	simm.s32 @p0 $0x0  }
0x6f: {  	[hbm4b:s4+s3] =	stream.linear.scatter @p0 [tilespmem:s6], [sflag:$0x2], $0x7E, $0x38;
	[tilespmem:$0x600] =	vst v63  }
0x70: {  	s3 =	simm.s32 @p0 $0x2  }
0x71: {  	_ =	swait.ge @p0 [sflag:s3], $0x7E  }
0x72: {  	[sflag:s3] =	ssyncset.done @p0 $0x0  }
0x73: {  	s4 =	simm.s32 @!p0 $0x580;
	[sflag:s3] =	ssyncadd.s32 @p0 $0xFFFFFF82;
	s3 =	simm.s32 @!p0 $0x0  }
0x74: {  	[hbm4b:s2+s3] =	stream.linear.scatter @!p0 [tilespmem:s4], [sflag:$0x2], $0x80, $0x38;
	[tilespmem:$0x600] =	vst v63  }
0x75: {  	s2 =	simm.s32 @!p0 $0x2  }
0x76: {  	_ =	swait.ge @!p0 [sflag:s2], $0x80  }
0x77: {  	[sflag:s2] =	ssyncset.done @!p0 $0x0  }
0x78: {  	[sflag:s2] =	ssyncadd.s32 @!p0 $0xFFFFFF80  }
0x79: {  	_ =	swait.ge [sflag:s30], $0x100  }
0x7a: {  	[sflag:s30] =	ssyncset.done $0x0  }
0x7b: {  	[sflag:s30] =	ssyncadd.s32 $0xFFFFFF00  }
0x7c: {  	_ =	sfence.sel $0x180000  }
0x7d: {  	[bflag:$0x0] =	sbarrier.arrive $0xFFFF  }
0x7e: {  	p0 =	sne.s32 s1, $0x0;
	_ =	strace $0x90000047  }
0x7f: {  	s0 =	sadd.s32 @!p0 $0x100000, s0;
	[bflag:$0x2] =	sbarrier.arrive $0xFFFF  }
0x80: {  	[sflag:s0] =	ssyncadd.tile.s32 @!p0 $0x1;
	_ =	shalt  }
.Lfunc_end2:
_tile_overlayer_lowered:
.L_overlay_start_2:
0x81: {  	(tag) =	ssettag $0x2  }
0x82: {  	s0 =	rddreg [dreg:$0x0];
	s2 =	stileid.u32  }
0x83: {  	s1 =	rddreg [dreg:$0x1];
	p0 =	sne.s32 s2, $0x0  }
0x84: {  	s3 =	rddreg [dreg:$0x2];
	[bflag:$0x3] =	sbarrier.arrive $0xFFFF;
	s2 =	simm.s32 @!p0 $0x1C02  }
0x85: {  	[timem:s3], [sflag:s2] =	dma.local @!p0 [hbm:s0], s1  }
0x86: {  	s0 =	simm.s32 @!p0 $0x2  }
0x87: {  	_ =	swait.ge @!p0 [sflag:s0], s1  }
0x88: {  	s1 =	ssub.s32 @!p0 $0x0, s1;
	[sflag:s0] =	ssyncset.done @!p0 $0x0  }
0x89: {  	[sflag:s0] =	ssyncadd.s32 @!p0 s1  }
0x8a: {  	[bflag:$0x3] =	sbarrier.arrive $0xFFFF  }
0x8b: {  	_ =	shalt  }

</sc_bundles>
